<compile_context>
chip_gen: v7x
topology: tpu7x:2x2x1
jax: 0.10.2.dev20260603
libtpu: 0.0.44.dev20260713+nightly
codegen_flags: <defaults>
</compile_context>

<pallas_src>
import jax
import jax.numpy as jnp
import math
from jax.experimental import pallas as pl

_IMG = 800.0
_PRE_N = 1000
_NMS_TH = 0.7
_MIN_SIZE = 1e-3
_BBOX_CLIP = math.log(1000.0 / 16.0)
_PAD = 1024


def _rpn_nms_kernel(d_ref, a_ref, s_ref, o_ref):
    o_ref[0] = jnp.zeros((_PAD, 128), jnp.float32)

    dx = d_ref[0, 0]
    dy = d_ref[0, 1]
    dw = jnp.minimum(d_ref[0, 2], _BBOX_CLIP)
    dh = jnp.minimum(d_ref[0, 3], _BBOX_CLIP)
    ax1 = a_ref[0, 0]
    ay1 = a_ref[0, 1]
    ax2 = a_ref[0, 2]
    ay2 = a_ref[0, 3]

    aw = ax2 - ax1
    ah = ay2 - ay1
    acx = ax1 + 0.5 * aw
    acy = ay1 + 0.5 * ah
    pcx = dx * aw + acx
    pcy = dy * ah + acy
    pw = jnp.exp(dw) * aw
    ph = jnp.exp(dh) * ah

    x1 = jnp.clip(pcx - 0.5 * pw, 0.0, _IMG)
    y1 = jnp.clip(pcy - 0.5 * ph, 0.0, _IMG)
    x2 = jnp.clip(pcx + 0.5 * pw, 0.0, _IMG)
    y2 = jnp.clip(pcy + 0.5 * ph, 0.0, _IMG)
    prob = jax.nn.sigmoid(s_ref[0])

    rowi = jax.lax.broadcasted_iota(jnp.int32, (8, 128), 0)
    coli = jax.lax.broadcasted_iota(jnp.int32, (8, 128), 1)
    flat = rowi * 128 + coli
    valid = (flat < _PRE_N) & ((x2 - x1) >= _MIN_SIZE) & ((y2 - y1) >= _MIN_SIZE)
    area = (x2 - x1) * (y2 - y1)
    lane = jax.lax.broadcasted_iota(jnp.int32, (1, 128), 1)

    def step(j, carry):
        keep, k = carry
        sel = flat == j

        def ext(v):
            return jnp.max(jnp.where(sel, v, -1e30))

        alive = jnp.max(jnp.where(sel, keep, 0.0)) > 0.5
        bx1 = ext(x1)
        by1 = ext(y1)
        bx2 = ext(x2)
        by2 = ext(y2)
        pj = ext(prob)
        aj = (bx2 - bx1) * (by2 - by1)

        xx1 = jnp.maximum(bx1, x1)
        yy1 = jnp.maximum(by1, y1)
        xx2 = jnp.minimum(bx2, x2)
        yy2 = jnp.minimum(by2, y2)
        inter = jnp.maximum(xx2 - xx1, 0.0) * jnp.maximum(yy2 - yy1, 0.0)
        iou = inter / (aj + area - inter + 1e-9)
        suppress = alive & (iou > _NMS_TH) & (flat > j)
        keep = jnp.where(suppress, 0.0, keep)

        row = jnp.where(
            lane == 0,
            bx1,
            jnp.where(
                lane == 1,
                by1,
                jnp.where(
                    lane == 2,
                    bx2,
                    jnp.where(lane == 3, by2, jnp.where(lane == 4, pj, 0.0)),
                ),
            ),
        )
        slot = jnp.where(alive, k, _PAD - 1)
        o_ref[0, pl.ds(slot, 1), :] = row
        k = k + jnp.where(alive, 1, 0)
        return keep, k

    jax.lax.fori_loop(
        0, _PRE_N, step, (valid.astype(jnp.float32), jnp.int32(0))
    )


def kernel(objectness, bbox_deltas, anchors):
    n, a, h, w = objectness.shape
    hwa = h * w * a
    obj = objectness.transpose(0, 2, 3, 1).reshape(n, hwa)
    deltas = (
        bbox_deltas.reshape(n, a, 4, h, w)
        .transpose(0, 3, 4, 1, 2)
        .reshape(n, hwa, 4)
    )
    scores, idx = jax.lax.top_k(obj, _PRE_N)
    sel_d = jnp.take_along_axis(deltas, idx[:, :, None], axis=1)
    sel_a = jnp.take(anchors, idx, axis=0)

    pad = _PAD - _PRE_N
    d_in = (
        jnp.pad(sel_d, ((0, 0), (0, pad), (0, 0)))
        .transpose(0, 2, 1)
        .reshape(n, 4, 8, 128)
    )
    a_in = (
        jnp.pad(sel_a, ((0, 0), (0, pad), (0, 0)))
        .transpose(0, 2, 1)
        .reshape(n, 4, 8, 128)
    )
    s_in = jnp.pad(scores, ((0, 0), (0, pad))).reshape(n, 8, 128)

    out = pl.pallas_call(
        _rpn_nms_kernel,
        grid=(n,),
        in_specs=[
            pl.BlockSpec((1, 4, 8, 128), lambda i: (i, 0, 0, 0)),
            pl.BlockSpec((1, 4, 8, 128), lambda i: (i, 0, 0, 0)),
            pl.BlockSpec((1, 8, 128), lambda i: (i, 0, 0)),
        ],
        out_specs=pl.BlockSpec((1, _PAD, 128), lambda i: (i, 0, 0)),
        out_shape=jax.ShapeDtypeStruct((n, _PAD, 128), jnp.float32),
    )(d_in, a_in, s_in)
    return out[:, :_PRE_N, :5]

# --- scband reference (transcript-rebuilt; emitter-appended) ---
"""Pipeline reference for scband-region-proposal-network-22497038696818 (READ-ONLY COPY).

The authoritative reference and input builder live on the scoring server;
editing this copy changes nothing except your own understanding.
"""

import math
import jax, jax.numpy as jnp
import numpy as np

IMG = 800.0
PRE_N = 1000
POST_N = 1000
NMS_TH = 0.7
MIN_SIZE = 1e-3
BBOX_CLIP = math.log(1000.0 / 16.0)
N_IMG = 2
H = W = 80
A = 3


def make_anchors():
    stride = 10.0
    sizes = np.array([32.0, 64.0, 128.0], dtype=np.float32)
    shifts_x = (np.arange(W, dtype=np.float32) + 0.5) * stride
    shifts_y = (np.arange(H, dtype=np.float32) + 0.5) * stride
    ys, xs = np.meshgrid(shifts_y, shifts_x, indexing='ij')
    centers = np.stack([xs.ravel(), ys.ravel()], axis=1)  # [HW, 2] in (H, W) order
    cxy = centers[:, None, :]                     # [HW, 1, 2]
    half = (sizes[None, :, None] / 2.0)           # [1, A, 1]
    boxes = np.concatenate([cxy - half, cxy + half], axis=2)  # [HW, A, 4]
    return boxes.reshape(-1, 4).astype(np.float32)


def setup_inputs(seed: int = 0) -> dict:
    key = jax.random.key(seed)
    k1, k2 = jax.random.split(key)
    objectness = jax.random.normal(k1, (N_IMG, A, H, W), dtype=jnp.float32)
    bbox_deltas = jax.random.normal(k2, (N_IMG, A * 4, H, W), dtype=jnp.float32)
    anchors = jnp.asarray(make_anchors())
    return {"objectness": objectness, "bbox_deltas": bbox_deltas, "anchors": anchors}


def permute_and_flatten(t, N, C, Hh, Ww):
    t = t.reshape(N, -1, C, Hh, Ww)
    t = jnp.transpose(t, (0, 3, 4, 1, 2))
    return t.reshape(N, -1, C)


def decode_bbox(deltas, anchors):
    w = anchors[:, 2] - anchors[:, 0]
    h = anchors[:, 3] - anchors[:, 1]
    cx = anchors[:, 0] + 0.5 * w
    cy = anchors[:, 1] + 0.5 * h
    dx, dy, dw, dh = deltas[:, 0], deltas[:, 1], deltas[:, 2], deltas[:, 3]
    dw = jnp.minimum(dw, BBOX_CLIP)
    dh = jnp.minimum(dh, BBOX_CLIP)
    pcx = dx * w + cx
    pcy = dy * h + cy
    pw = jnp.exp(dw) * w
    ph = jnp.exp(dh) * h
    return jnp.stack([pcx - 0.5 * pw, pcy - 0.5 * ph, pcx + 0.5 * pw, pcy + 0.5 * ph], axis=1)


def nms_np(boxes, scores, thresh):
    order = np.argsort(-scores)
    keep = []
    while order.size > 0:
        i = int(order[0])
        keep.append(i)
        if order.size == 1:
            break
        rest = order[1:]
        xx1 = np.maximum(boxes[i, 0], boxes[rest, 0])
        yy1 = np.maximum(boxes[i, 1], boxes[rest, 1])
        xx2 = np.minimum(boxes[i, 2], boxes[rest, 2])
        yy2 = np.minimum(boxes[i, 3], boxes[rest, 3])
        inter = np.clip(xx2 - xx1, 0, None) * np.clip(yy2 - yy1, 0, None)
        area_i = (boxes[i, 2] - boxes[i, 0]) * (boxes[i, 3] - boxes[i, 1])
        area_r = (boxes[rest, 2] - boxes[rest, 0]) * (boxes[rest, 3] - boxes[rest, 1])
        iou = inter / (area_i + area_r - inter + 1e-9)
        order = rest[iou <= thresh]
    return np.array(keep, dtype=np.int64)


def reference(objectness, bbox_deltas, anchors):
    N = objectness.shape[0]
    obj_flat = permute_and_flatten(objectness, N, 1, H, W).reshape(N, -1)      # [N, HWA]
    deltas = permute_and_flatten(bbox_deltas, N, 4, H, W).reshape(-1, 4)       # [N*HWA, 4]
    anchors_all = jnp.concatenate([anchors] * N, axis=0)
    proposals = decode_bbox(deltas, anchors_all).reshape(N, -1, 4)
    scores, topk_idx = jax.lax.top_k(obj_flat, PRE_N)
    props = jnp.take_along_axis(proposals, topk_idx[:, :, None], axis=1)       # [N, PRE_N, 4]
    probs = jax.nn.sigmoid(scores)
    idx_arr = jnp.arange(PRE_N)
    outs = []
    for i in range(N):
        b = jnp.clip(props[i], 0.0, IMG)
        p = probs[i]
        valid = ((b[:, 2] - b[:, 0]) >= MIN_SIZE) & ((b[:, 3] - b[:, 1]) >= MIN_SIZE) & (p >= 0.0)
        area = (b[:, 2] - b[:, 0]) * (b[:, 3] - b[:, 1])

        def body(j, keep):
            xx1 = jnp.maximum(b[j, 0], b[:, 0])
            yy1 = jnp.maximum(b[j, 1], b[:, 1])
            xx2 = jnp.minimum(b[j, 2], b[:, 2])
            yy2 = jnp.minimum(b[j, 3], b[:, 3])
            inter = jnp.clip(xx2 - xx1, 0.0, None) * jnp.clip(yy2 - yy1, 0.0, None)
            iou = inter / (area[j] + area - inter + 1e-9)
            suppress = keep[j] & (iou > NMS_TH) & (idx_arr > j)
            return keep & ~suppress

        keep = jax.lax.fori_loop(0, PRE_N, body, valid)
        rank = jnp.cumsum(keep.astype(jnp.int32)) - 1
        slot = jnp.where(keep & (rank < POST_N), rank, POST_N)
        rows = jnp.concatenate([b, p[:, None]], axis=1)
        buf = jnp.zeros((POST_N + 1, 5), dtype=jnp.float32).at[slot].set(rows)
        outs.append(buf[:POST_N])
    return jnp.stack(outs, axis=0)

if __name__ == "__main__":
    import jax
    _d = setup_inputs()
    print(jax.jit(kernel)(*tuple(_d.values())))

</pallas_src>

<mosaic_0001>
module attributes {stable_mosaic.version = 14 : i64} {
  func.func @_rpn_nms_kernel(%arg0: i32, %arg1: memref<1x4x8x128xf32, #tpu.memory_space<vmem>>, %arg2: memref<1x4x8x128xf32, #tpu.memory_space<vmem>>, %arg3: memref<1x8x128xf32, #tpu.memory_space<vmem>>, %arg4: memref<1x1024x128xf32, #tpu.memory_space<vmem>>) attributes {dimension_semantics = [#tpu.dimension_semantics<arbitrary>], iteration_bounds = array<i64: 2>, scalar_prefetch = 0 : i64, scratch_operands = 0 : i64, tpu.core_type = #tpu.core_type<tc>, window_params = [{transform_indices = @transform_0, window_bounds = array<i64: 1, 4, 8, 128>}, {transform_indices = @transform_1, window_bounds = array<i64: 1, 4, 8, 128>}, {transform_indices = @transform_2, window_bounds = array<i64: 1, 8, 128>}, {transform_indices = @transform_3, window_bounds = array<i64: 1, 1024, 128>}]} {
    %broadcast_in_dim3A = arith.constant 0.000000e+00 : f32
    %broadcast_in_dim3A_0 = vector.broadcast %broadcast_in_dim3A : f32 to vector<1024x128xf32>
    %swap3A = arith.constant 0 : index
    %swap3A_1 = arith.constant 0 : index
    %swap3A_2 = arith.constant 0 : index
    %swap3A_3 = vector.load %arg4[%swap3A, %swap3A_1, %swap3A_2] : memref<1x1024x128xf32, #tpu.memory_space<vmem>>, vector<1x1024x128xf32>
    %swap3A_4 = vector.shape_cast %swap3A_3 : vector<1x1024x128xf32> to vector<1024x128xf32>
    %swap3A_5 = vector.shape_cast %broadcast_in_dim3A_0 : vector<1024x128xf32> to vector<1x1024x128xf32>
    tpu.vector_store %arg4[%swap3A, %swap3A_1, %swap3A_2], %swap3A_5 {strides = array<i32>} : memref<1x1024x128xf32, #tpu.memory_space<vmem>>, vector<1x1024x128xf32>,
    %get3A = arith.constant 0 : index
    %get3A_6 = arith.constant 0 : index
    %get3A_7 = arith.constant 0 : index
    %get3A_8 = arith.constant 0 : index
    %get3A_9 = vector.load %arg1[%get3A, %get3A_6, %get3A_7, %get3A_8] : memref<1x4x8x128xf32, #tpu.memory_space<vmem>>, vector<1x1x8x128xf32>
    %get3A_10 = vector.shape_cast %get3A_9 : vector<1x1x8x128xf32> to vector<8x128xf32>
    %get3A_11 = arith.constant 0 : index
    %get3A_12 = arith.constant 1 : index
    %get3A_13 = arith.constant 0 : index
    %get3A_14 = arith.constant 0 : index
    %get3A_15 = vector.load %arg1[%get3A_11, %get3A_12, %get3A_13, %get3A_14] : memref<1x4x8x128xf32, #tpu.memory_space<vmem>>, vector<1x1x8x128xf32>
    %get3A_16 = vector.shape_cast %get3A_15 : vector<1x1x8x128xf32> to vector<8x128xf32>
    %get3A_17 = arith.constant 0 : index
    %get3A_18 = arith.constant 2 : index
    %get3A_19 = arith.constant 0 : index
    %get3A_20 = arith.constant 0 : index
    %get3A_21 = vector.load %arg1[%get3A_17, %get3A_18, %get3A_19, %get3A_20] : memref<1x4x8x128xf32, #tpu.memory_space<vmem>>, vector<1x1x8x128xf32>
    %get3A_22 = vector.shape_cast %get3A_21 : vector<1x1x8x128xf32> to vector<8x128xf32>
    %min3A = arith.constant 4.13516665 : f32
    %min3A_23 = vector.broadcast %min3A : f32 to vector<8x128xf32>
    %min3A_24 = arith.minimumf %get3A_22, %min3A_23 : vector<8x128xf32>
    %get3A_25 = arith.constant 0 : index
    %get3A_26 = arith.constant 3 : index
    %get3A_27 = arith.constant 0 : index
    %get3A_28 = arith.constant 0 : index
    %get3A_29 = vector.load %arg1[%get3A_25, %get3A_26, %get3A_27, %get3A_28] : memref<1x4x8x128xf32, #tpu.memory_space<vmem>>, vector<1x1x8x128xf32>
    %get3A_30 = vector.shape_cast %get3A_29 : vector<1x1x8x128xf32> to vector<8x128xf32>
    %min3A_31 = arith.constant 4.13516665 : f32
    %min3A_32 = vector.broadcast %min3A_31 : f32 to vector<8x128xf32>
    %min3A_33 = arith.minimumf %get3A_30, %min3A_32 : vector<8x128xf32>
    %get3A_34 = arith.constant 0 : index
    %get3A_35 = arith.constant 0 : index
    %get3A_36 = arith.constant 0 : index
    %get3A_37 = arith.constant 0 : index
    %get3A_38 = vector.load %arg2[%get3A_34, %get3A_35, %get3A_36, %get3A_37] : memref<1x4x8x128xf32, #tpu.memory_space<vmem>>, vector<1x1x8x128xf32>
    %get3A_39 = vector.shape_cast %get3A_38 : vector<1x1x8x128xf32> to vector<8x128xf32>
    %get3A_40 = arith.constant 0 : index
    %get3A_41 = arith.constant 1 : index
    %get3A_42 = arith.constant 0 : index
    %get3A_43 = arith.constant 0 : index
    %get3A_44 = vector.load %arg2[%get3A_40, %get3A_41, %get3A_42, %get3A_43] : memref<1x4x8x128xf32, #tpu.memory_space<vmem>>, vector<1x1x8x128xf32>
    %get3A_45 = vector.shape_cast %get3A_44 : vector<1x1x8x128xf32> to vector<8x128xf32>
    %get3A_46 = arith.constant 0 : index
    %get3A_47 = arith.constant 2 : index
    %get3A_48 = arith.constant 0 : index
    %get3A_49 = arith.constant 0 : index
    %get3A_50 = vector.load %arg2[%get3A_46, %get3A_47, %get3A_48, %get3A_49] : memref<1x4x8x128xf32, #tpu.memory_space<vmem>>, vector<1x1x8x128xf32>
    %get3A_51 = vector.shape_cast %get3A_50 : vector<1x1x8x128xf32> to vector<8x128xf32>
    %get3A_52 = arith.constant 0 : index
    %get3A_53 = arith.constant 3 : index
    %get3A_54 = arith.constant 0 : index
    %get3A_55 = arith.constant 0 : index
    %get3A_56 = vector.load %arg2[%get3A_52, %get3A_53, %get3A_54, %get3A_55] : memref<1x4x8x128xf32, #tpu.memory_space<vmem>>, vector<1x1x8x128xf32>
    %get3A_57 = vector.shape_cast %get3A_56 : vector<1x1x8x128xf32> to vector<8x128xf32>
    %sub3A = arith.subf %get3A_51, %get3A_39 : vector<8x128xf32>
    %sub3A_58 = arith.subf %get3A_57, %get3A_45 : vector<8x128xf32>
    %mul3A = arith.constant 5.000000e-01 : f32
    %mul3A_59 = vector.broadcast %mul3A : f32 to vector<8x128xf32>
    %mul3A_60 = arith.mulf %mul3A_59, %sub3A : vector<8x128xf32>
    %add3A = arith.addf %get3A_39, %mul3A_60 : vector<8x128xf32>
    %mul3A_61 = arith.constant 5.000000e-01 : f32
    %mul3A_62 = vector.broadcast %mul3A_61 : f32 to vector<8x128xf32>
    %mul3A_63 = arith.mulf %mul3A_62, %sub3A_58 : vector<8x128xf32>
    %add3A_64 = arith.addf %get3A_45, %mul3A_63 : vector<8x128xf32>
    %mul3A_65 = arith.mulf %get3A_10, %sub3A : vector<8x128xf32>
    %add3A_66 = arith.addf %mul3A_65, %add3A : vector<8x128xf32>
    %mul3A_67 = arith.mulf %get3A_16, %sub3A_58 : vector<8x128xf32>
    %add3A_68 = arith.addf %mul3A_67, %add3A_64 : vector<8x128xf32>
    %exp3A = math.exp %min3A_24 : vector<8x128xf32>
    %mul3A_69 = arith.mulf %exp3A, %sub3A : vector<8x128xf32>
    %exp3A_70 = math.exp %min3A_33 : vector<8x128xf32>
    %mul3A_71 = arith.mulf %exp3A_70, %sub3A_58 : vector<8x128xf32>
    %mul3A_72 = arith.constant 5.000000e-01 : f32
    %mul3A_73 = vector.broadcast %mul3A_72 : f32 to vector<8x128xf32>
    %mul3A_74 = arith.mulf %mul3A_73, %mul3A_69 : vector<8x128xf32>
    %sub3A_75 = arith.subf %add3A_66, %mul3A_74 : vector<8x128xf32>
    %jit3A = arith.constant 0.000000e+00 : f32
    %jit3A_76 = arith.constant 8.000000e+02 : f32
    %max3A = vector.broadcast %jit3A : f32 to vector<8x128xf32>
    %max3A_77 = arith.maximumf %max3A, %sub3A_75 : vector<8x128xf32>
    %min3A_78 = vector.broadcast %jit3A_76 : f32 to vector<8x128xf32>
    %min3A_79 = arith.minimumf %min3A_78, %max3A_77 : vector<8x128xf32>
    %mul3A_80 = arith.constant 5.000000e-01 : f32
    %mul3A_81 = vector.broadcast %mul3A_80 : f32 to vector<8x128xf32>
    %mul3A_82 = arith.mulf %mul3A_81, %mul3A_71 : vector<8x128xf32>
    %sub3A_83 = arith.subf %add3A_68, %mul3A_82 : vector<8x128xf32>
    %jit3A_84 = arith.constant 0.000000e+00 : f32
    %jit3A_85 = arith.constant 8.000000e+02 : f32
    %max3A_86 = vector.broadcast %jit3A_84 : f32 to vector<8x128xf32>
    %max3A_87 = arith.maximumf %max3A_86, %sub3A_83 : vector<8x128xf32>
    %min3A_88 = vector.broadcast %jit3A_85 : f32 to vector<8x128xf32>
    %min3A_89 = arith.minimumf %min3A_88, %max3A_87 : vector<8x128xf32>
    %mul3A_90 = arith.constant 5.000000e-01 : f32
    %mul3A_91 = vector.broadcast %mul3A_90 : f32 to vector<8x128xf32>
    %mul3A_92 = arith.mulf %mul3A_91, %mul3A_69 : vector<8x128xf32>
    %add3A_93 = arith.addf %add3A_66, %mul3A_92 : vector<8x128xf32>
    %jit3A_94 = arith.constant 0.000000e+00 : f32
    %jit3A_95 = arith.constant 8.000000e+02 : f32
    %max3A_96 = vector.broadcast %jit3A_94 : f32 to vector<8x128xf32>
    %max3A_97 = arith.maximumf %max3A_96, %add3A_93 : vector<8x128xf32>
    %min3A_98 = vector.broadcast %jit3A_95 : f32 to vector<8x128xf32>
    %min3A_99 = arith.minimumf %min3A_98, %max3A_97 : vector<8x128xf32>
    %mul3A_100 = arith.constant 5.000000e-01 : f32
    %mul3A_101 = vector.broadcast %mul3A_100 : f32 to vector<8x128xf32>
    %mul3A_102 = arith.mulf %mul3A_101, %mul3A_71 : vector<8x128xf32>
    %add3A_103 = arith.addf %add3A_68, %mul3A_102 : vector<8x128xf32>
    %jit3A_104 = arith.constant 0.000000e+00 : f32
    %jit3A_105 = arith.constant 8.000000e+02 : f32
    %max3A_106 = vector.broadcast %jit3A_104 : f32 to vector<8x128xf32>
    %max3A_107 = arith.maximumf %max3A_106, %add3A_103 : vector<8x128xf32>
    %min3A_108 = vector.broadcast %jit3A_105 : f32 to vector<8x128xf32>
    %min3A_109 = arith.minimumf %min3A_108, %max3A_107 : vector<8x128xf32>
    %get3A_110 = arith.constant 0 : index
    %get3A_111 = arith.constant 0 : index
    %get3A_112 = arith.constant 0 : index
    %get3A_113 = vector.load %arg3[%get3A_110, %get3A_111, %get3A_112] : memref<1x8x128xf32, #tpu.memory_space<vmem>>, vector<1x8x128xf32>
    %get3A_114 = vector.shape_cast %get3A_113 : vector<1x8x128xf32> to vector<8x128xf32>
    %logistic3A = arith.negf %get3A_114 : vector<8x128xf32>
    %logistic3A_115 = math.exp %logistic3A : vector<8x128xf32>
    %logistic3A_116 = arith.constant 1.000000e+00 : f32
    %logistic3A_117 = vector.broadcast %logistic3A_116 : f32 to vector<8x128xf32>
    %logistic3A_118 = arith.addf %logistic3A_117, %logistic3A_115 : vector<8x128xf32>
    %logistic3A_119 = arith.divf %logistic3A_117, %logistic3A_118 : vector<8x128xf32>
    %iota3A = tpu.iota {dimensions = array<i32: 0>} : vector<8x128xi32>
    %iota3A_120 = tpu.iota {dimensions = array<i32: 1>} : vector<8x128xi32>
    %mul3A_121 = arith.constant 128 : i32
    %mul3A_122 = vector.broadcast %mul3A_121 : i32 to vector<8x128xi32>
    %mul3A_123 = arith.muli %iota3A, %mul3A_122 : vector<8x128xi32>
    %add3A_124 = arith.addi %mul3A_123, %iota3A_120 : vector<8x128xi32>
    %lt3A = arith.constant 1000 : i32
    %lt3A_125 = vector.broadcast %lt3A : i32 to vector<8x128xi32>
    %lt3A_126 = arith.cmpi slt, %add3A_124, %lt3A_125 : vector<8x128xi32>
    %sub3A_127 = arith.subf %min3A_99, %min3A_79 : vector<8x128xf32>
    %ge3A = arith.constant 1.000000e-03 : f32
    %ge3A_128 = vector.broadcast %ge3A : f32 to vector<8x128xf32>
    %ge3A_129 = arith.cmpf oge, %sub3A_127, %ge3A_128 : vector<8x128xf32>
    %and3A = arith.andi %lt3A_126, %ge3A_129 : vector<8x128xi1>
    %sub3A_130 = arith.subf %min3A_109, %min3A_89 : vector<8x128xf32>
    %ge3A_131 = arith.constant 1.000000e-03 : f32
    %ge3A_132 = vector.broadcast %ge3A_131 : f32 to vector<8x128xf32>
    %ge3A_133 = arith.cmpf oge, %sub3A_130, %ge3A_132 : vector<8x128xf32>
    %and3A_134 = arith.andi %and3A, %ge3A_133 : vector<8x128xi1>
    %sub3A_135 = arith.subf %min3A_99, %min3A_79 : vector<8x128xf32>
    %sub3A_136 = arith.subf %min3A_109, %min3A_89 : vector<8x128xf32>
    %mul3A_137 = arith.mulf %sub3A_135, %sub3A_136 : vector<8x128xf32>
    %iota3A_138 = tpu.iota {dimensions = array<i32: 1>} : vector<1x128xi32>
    %convert_element_type3A = arith.extui %and3A_134 : vector<8x128xi1> to vector<8x128xi32>
    %convert_element_type3A_139 = arith.sitofp %convert_element_type3A : vector<8x128xi32> to vector<8x128xf32>
    %scan3A = arith.constant 0 : i32
    %scan3A_140 = arith.constant 0 : i32
    %scan3A_141 = arith.constant 1000 : i32
    %scan3A_142 = arith.addi %scan3A_140, %scan3A_141 : i32
    %scan3A_143 = arith.constant 1 : i32
    %scan3A_144:2 = scf.for %scan3A_146 = %scan3A_140 to %scan3A_142 step %scan3A_143 iter_args(%scan3A_147 = %convert_element_type3A_139, %scan3A_148 = %scan3A) -> (vector<8x128xf32>, i32)  : i32 {
      %eq3A = vector.broadcast %scan3A_146 : i32 to vector<8x128xi32>
      %eq3A_149 = arith.cmpi eq, %add3A_124, %eq3A : vector<8x128xi32>
      %jit3A_150 = arith.constant 0.000000e+00 : f32
      %broadcast_in_dim3A_151 = vector.broadcast %jit3A_150 : f32 to vector<8x128xf32>
      %select_n3A = arith.select %eq3A_149, %scan3A_147, %broadcast_in_dim3A_151 : vector<8x128xi1>, vector<8x128xf32>
      %reduce_max3A = vector.shape_cast %select_n3A : vector<8x128xf32> to vector<1x8x128xf32>
      %reduce_max3A_152 = arith.constant dense<0xFF800000> : vector<1xf32>
      %reduce_max3A_153 = vector.multi_reduction <maximumf>, %reduce_max3A, %reduce_max3A_152 [1, 2] : vector<1x8x128xf32> to vector<1xf32>
      %reduce_max3A_154 = vector.shape_cast %reduce_max3A_153 : vector<1xf32> to vector<1x1x1xf32>
      %reduce_max3A_155 = vector.extract %reduce_max3A_154[0, 0, 0] : f32 from vector<1x1x1xf32>
      %gt3A = arith.constant 5.000000e-01 : f32
      %gt3A_156 = arith.cmpf ogt, %reduce_max3A_155, %gt3A : f32
      %jit3A_157 = arith.constant -1.000000e+30 : f32
      %broadcast_in_dim3A_158 = vector.broadcast %jit3A_157 : f32 to vector<8x128xf32>
      %select_n3A_159 = arith.select %eq3A_149, %min3A_79, %broadcast_in_dim3A_158 : vector<8x128xi1>, vector<8x128xf32>
      %reduce_max3A_160 = vector.shape_cast %select_n3A_159 : vector<8x128xf32> to vector<1x8x128xf32>
      %reduce_max3A_161 = arith.constant dense<0xFF800000> : vector<1xf32>
      %reduce_max3A_162 = vector.multi_reduction <maximumf>, %reduce_max3A_160, %reduce_max3A_161 [1, 2] : vector<1x8x128xf32> to vector<1xf32>
      %reduce_max3A_163 = vector.shape_cast %reduce_max3A_162 : vector<1xf32> to vector<1x1x1xf32>
      %reduce_max3A_164 = vector.extract %reduce_max3A_163[0, 0, 0] : f32 from vector<1x1x1xf32>
      %jit3A_165 = arith.constant -1.000000e+30 : f32
      %broadcast_in_dim3A_166 = vector.broadcast %jit3A_165 : f32 to vector<8x128xf32>
      %select_n3A_167 = arith.select %eq3A_149, %min3A_89, %broadcast_in_dim3A_166 : vector<8x128xi1>, vector<8x128xf32>
      %reduce_max3A_168 = vector.shape_cast %select_n3A_167 : vector<8x128xf32> to vector<1x8x128xf32>
      %reduce_max3A_169 = arith.constant dense<0xFF800000> : vector<1xf32>
      %reduce_max3A_170 = vector.multi_reduction <maximumf>, %reduce_max3A_168, %reduce_max3A_169 [1, 2] : vector<1x8x128xf32> to vector<1xf32>
      %reduce_max3A_171 = vector.shape_cast %reduce_max3A_170 : vector<1xf32> to vector<1x1x1xf32>
      %reduce_max3A_172 = vector.extract %reduce_max3A_171[0, 0, 0] : f32 from vector<1x1x1xf32>
      %jit3A_173 = arith.constant -1.000000e+30 : f32
      %broadcast_in_dim3A_174 = vector.broadcast %jit3A_173 : f32 to vector<8x128xf32>
      %select_n3A_175 = arith.select %eq3A_149, %min3A_99, %broadcast_in_dim3A_174 : vector<8x128xi1>, vector<8x128xf32>
      %reduce_max3A_176 = vector.shape_cast %select_n3A_175 : vector<8x128xf32> to vector<1x8x128xf32>
      %reduce_max3A_177 = arith.constant dense<0xFF800000> : vector<1xf32>
      %reduce_max3A_178 = vector.multi_reduction <maximumf>, %reduce_max3A_176, %reduce_max3A_177 [1, 2] : vector<1x8x128xf32> to vector<1xf32>
      %reduce_max3A_179 = vector.shape_cast %reduce_max3A_178 : vector<1xf32> to vector<1x1x1xf32>
      %reduce_max3A_180 = vector.extract %reduce_max3A_179[0, 0, 0] : f32 from vector<1x1x1xf32>
      %jit3A_181 = arith.constant -1.000000e+30 : f32
      %broadcast_in_dim3A_182 = vector.broadcast %jit3A_181 : f32 to vector<8x128xf32>
      %select_n3A_183 = arith.select %eq3A_149, %min3A_109, %broadcast_in_dim3A_182 : vector<8x128xi1>, vector<8x128xf32>
      %reduce_max3A_184 = vector.shape_cast %select_n3A_183 : vector<8x128xf32> to vector<1x8x128xf32>
      %reduce_max3A_185 = arith.constant dense<0xFF800000> : vector<1xf32>
      %reduce_max3A_186 = vector.multi_reduction <maximumf>, %reduce_max3A_184, %reduce_max3A_185 [1, 2] : vector<1x8x128xf32> to vector<1xf32>
      %reduce_max3A_187 = vector.shape_cast %reduce_max3A_186 : vector<1xf32> to vector<1x1x1xf32>
      %reduce_max3A_188 = vector.extract %reduce_max3A_187[0, 0, 0] : f32 from vector<1x1x1xf32>
      %jit3A_189 = arith.constant -1.000000e+30 : f32
      %broadcast_in_dim3A_190 = vector.broadcast %jit3A_189 : f32 to vector<8x128xf32>
      %select_n3A_191 = arith.select %eq3A_149, %logistic3A_119, %broadcast_in_dim3A_190 : vector<8x128xi1>, vector<8x128xf32>
      %reduce_max3A_192 = vector.shape_cast %select_n3A_191 : vector<8x128xf32> to vector<1x8x128xf32>
      %reduce_max3A_193 = arith.constant dense<0xFF800000> : vector<1xf32>
      %reduce_max3A_194 = vector.multi_reduction <maximumf>, %reduce_max3A_192, %reduce_max3A_193 [1, 2] : vector<1x8x128xf32> to vector<1xf32>
      %reduce_max3A_195 = vector.shape_cast %reduce_max3A_194 : vector<1xf32> to vector<1x1x1xf32>
      %reduce_max3A_196 = vector.extract %reduce_max3A_195[0, 0, 0] : f32 from vector<1x1x1xf32>
      %sub3A_197 = arith.subf %reduce_max3A_180, %reduce_max3A_164 : f32
      %sub3A_198 = arith.subf %reduce_max3A_188, %reduce_max3A_172 : f32
      %mul3A_199 = arith.mulf %sub3A_197, %sub3A_198 : f32
      %max3A_200 = vector.broadcast %reduce_max3A_164 : f32 to vector<8x128xf32>
      %max3A_201 = arith.maximumf %max3A_200, %min3A_79 : vector<8x128xf32>
      %max3A_202 = vector.broadcast %reduce_max3A_172 : f32 to vector<8x128xf32>
      %max3A_203 = arith.maximumf %max3A_202, %min3A_89 : vector<8x128xf32>
      %min3A_204 = vector.broadcast %reduce_max3A_180 : f32 to vector<8x128xf32>
      %min3A_205 = arith.minimumf %min3A_204, %min3A_99 : vector<8x128xf32>
      %min3A_206 = vector.broadcast %reduce_max3A_188 : f32 to vector<8x128xf32>
      %min3A_207 = arith.minimumf %min3A_206, %min3A_109 : vector<8x128xf32>
      %sub3A_208 = arith.subf %min3A_205, %max3A_201 : vector<8x128xf32>
      %max3A_209 = arith.constant 0.000000e+00 : f32
      %max3A_210 = vector.broadcast %max3A_209 : f32 to vector<8x128xf32>
      %max3A_211 = arith.maximumf %sub3A_208, %max3A_210 : vector<8x128xf32>
      %sub3A_212 = arith.subf %min3A_207, %max3A_203 : vector<8x128xf32>
      %max3A_213 = arith.constant 0.000000e+00 : f32
      %max3A_214 = vector.broadcast %max3A_213 : f32 to vector<8x128xf32>
      %max3A_215 = arith.maximumf %sub3A_212, %max3A_214 : vector<8x128xf32>
      %mul3A_216 = arith.mulf %max3A_211, %max3A_215 : vector<8x128xf32>
      %add3A_217 = vector.broadcast %mul3A_199 : f32 to vector<8x128xf32>
      %add3A_218 = arith.addf %add3A_217, %mul3A_137 : vector<8x128xf32>
      %sub3A_219 = arith.subf %add3A_218, %mul3A_216 : vector<8x128xf32>
      %add3A_220 = arith.constant 9.99999971E-10 : f32
      %add3A_221 = vector.broadcast %add3A_220 : f32 to vector<8x128xf32>
      %add3A_222 = arith.addf %sub3A_219, %add3A_221 : vector<8x128xf32>
      %div3A = arith.divf %mul3A_216, %add3A_222 : vector<8x128xf32>
      %gt3A_223 = arith.constant 0.699999988 : f32
      %gt3A_224 = vector.broadcast %gt3A_223 : f32 to vector<8x128xf32>
      %gt3A_225 = arith.cmpf ogt, %div3A, %gt3A_224 : vector<8x128xf32>
      %and3A_226 = vector.broadcast %gt3A_156 : i1 to vector<8x128xi1>
      %and3A_227 = arith.andi %and3A_226, %gt3A_225 : vector<8x128xi1>
      %gt3A_228 = vector.broadcast %scan3A_146 : i32 to vector<8x128xi32>
      %gt3A_229 = arith.cmpi sgt, %add3A_124, %gt3A_228 : vector<8x128xi32>
      %and3A_230 = arith.andi %and3A_227, %gt3A_229 : vector<8x128xi1>
      %jit3A_231 = arith.constant 0.000000e+00 : f32
      %broadcast_in_dim3A_232 = vector.broadcast %jit3A_231 : f32 to vector<8x128xf32>
      %select_n3A_233 = arith.select %and3A_230, %broadcast_in_dim3A_232, %scan3A_147 : vector<8x128xi1>, vector<8x128xf32>
      %eq3A_234 = arith.constant 0 : i32
      %eq3A_235 = vector.broadcast %eq3A_234 : i32 to vector<1x128xi32>
      %eq3A_236 = arith.cmpi eq, %iota3A_138, %eq3A_235 : vector<1x128xi32>
      %eq3A_237 = arith.constant 1 : i32
      %eq3A_238 = vector.broadcast %eq3A_237 : i32 to vector<1x128xi32>
      %eq3A_239 = arith.cmpi eq, %iota3A_138, %eq3A_238 : vector<1x128xi32>
      %eq3A_240 = arith.constant 2 : i32
      %eq3A_241 = vector.broadcast %eq3A_240 : i32 to vector<1x128xi32>
      %eq3A_242 = arith.cmpi eq, %iota3A_138, %eq3A_241 : vector<1x128xi32>
      %eq3A_243 = arith.constant 3 : i32
      %eq3A_244 = vector.broadcast %eq3A_243 : i32 to vector<1x128xi32>
      %eq3A_245 = arith.cmpi eq, %iota3A_138, %eq3A_244 : vector<1x128xi32>
      %eq3A_246 = arith.constant 4 : i32
      %eq3A_247 = vector.broadcast %eq3A_246 : i32 to vector<1x128xi32>
      %eq3A_248 = arith.cmpi eq, %iota3A_138, %eq3A_247 : vector<1x128xi32>
      %jit3A_249 = arith.constant 0.000000e+00 : f32
      %broadcast_in_dim3A_250 = vector.broadcast %reduce_max3A_196 : f32 to vector<1x128xf32>
      %broadcast_in_dim3A_251 = vector.broadcast %jit3A_249 : f32 to vector<1x128xf32>
      %select_n3A_252 = arith.select %eq3A_248, %broadcast_in_dim3A_250, %broadcast_in_dim3A_251 : vector<1x128xi1>, vector<1x128xf32>
      %broadcast_in_dim3A_253 = vector.broadcast %reduce_max3A_188 : f32 to vector<1x128xf32>
      %select_n3A_254 = arith.select %eq3A_245, %broadcast_in_dim3A_253, %select_n3A_252 : vector<1x128xi1>, vector<1x128xf32>
      %broadcast_in_dim3A_255 = vector.broadcast %reduce_max3A_180 : f32 to vector<1x128xf32>
      %select_n3A_256 = arith.select %eq3A_242, %broadcast_in_dim3A_255, %select_n3A_254 : vector<1x128xi1>, vector<1x128xf32>
      %broadcast_in_dim3A_257 = vector.broadcast %reduce_max3A_172 : f32 to vector<1x128xf32>
      %select_n3A_258 = arith.select %eq3A_239, %broadcast_in_dim3A_257, %select_n3A_256 : vector<1x128xi1>, vector<1x128xf32>
      %broadcast_in_dim3A_259 = vector.broadcast %reduce_max3A_164 : f32 to vector<1x128xf32>
      %select_n3A_260 = arith.select %eq3A_236, %broadcast_in_dim3A_259, %select_n3A_258 : vector<1x128xi1>, vector<1x128xf32>
      %jit3A_261 = arith.constant 1023 : i32
      %select_n3A_262 = arith.select %gt3A_156, %scan3A_148, %jit3A_261 : i32
      %swap3A_263 = arith.constant 0 : index
      %swap3A_264 = arith.index_cast %select_n3A_262 : i32 to index
      %swap3A_265 = arith.constant 0 : index
      %swap3A_266 = vector.load %arg4[%swap3A_263, %swap3A_264, %swap3A_265] : memref<1x1024x128xf32, #tpu.memory_space<vmem>>, vector<1x1x128xf32>
      %swap3A_267 = vector.shape_cast %swap3A_266 : vector<1x1x128xf32> to vector<1x128xf32>
      %swap3A_268 = vector.shape_cast %select_n3A_260 : vector<1x128xf32> to vector<1x1x128xf32>
      tpu.vector_store %arg4[%swap3A_263, %swap3A_264, %swap3A_265], %swap3A_268 {strides = array<i32>} : memref<1x1024x128xf32, #tpu.memory_space<vmem>>, vector<1x1x128xf32>,
      %jit3A_269 = arith.constant 1 : i32
      %jit3A_270 = arith.constant 0 : i32
      %select_n3A_271 = arith.select %gt3A_156, %jit3A_269, %jit3A_270 : i32
      %add3A_272 = arith.addi %scan3A_148, %select_n3A_271 : i32
      scf.yield %select_n3A_233, %add3A_272 : vector<8x128xf32>, i32
    }
    %scan3A_145 = arith.constant 1000 : i32
    return
  }
  func.func @transform_0(%arg0: i32) -> (i32, i32, i32, i32) {
    %c0_i32 = arith.constant 0 : i32
    %c0_i32_0 = arith.constant 0 : i32
    %c0_i32_1 = arith.constant 0 : i32
    %c0_i32_2 = arith.constant 0 : i32
    return %arg0, %c0_i32, %c0_i32_0, %c0_i32_1 : i32, i32, i32, i32
  }
  func.func @transform_1(%arg0: i32) -> (i32, i32, i32, i32) {
    %c0_i32 = arith.constant 0 : i32
    %c0_i32_0 = arith.constant 0 : i32
    %c0_i32_1 = arith.constant 0 : i32
    %c0_i32_2 = arith.constant 0 : i32
    return %arg0, %c0_i32, %c0_i32_0, %c0_i32_1 : i32, i32, i32, i32
  }
  func.func @transform_2(%arg0: i32) -> (i32, i32, i32) {
    %c0_i32 = arith.constant 0 : i32
    %c0_i32_0 = arith.constant 0 : i32
    %c0_i32_1 = arith.constant 0 : i32
    return %arg0, %c0_i32, %c0_i32_0 : i32, i32, i32
  }
  func.func @transform_3(%arg0: i32) -> (i32, i32, i32) {
    %c0_i32 = arith.constant 0 : i32
    %c0_i32_0 = arith.constant 0 : i32
    %c0_i32_1 = arith.constant 0 : i32
    return %arg0, %c0_i32, %c0_i32_0 : i32, i32, i32
  }
}

</mosaic_0001>

<sc_bundles>
// kernel: gather_offload_async_start.1
scs
__scs_entry_jumppad:
0x0: {  	(pc) =	sbr.rel $0x88, $3  }
0x1: {  	(tag) =	ssettag $0x0;
	lr =	simm.s32 $0x1  }
0x2: {  	[smem:$0x3F9E] =	sst lr;
	_ =	strace $0xD0000000  }
0x3: {  	_ = 	snop  }
0x4: {  	_ = 	snop  }
0x5: {  	_ = 	snop  }
0x6: {  	_ = 	snop  }
0x7: {  	_ = 	snop  }
__scs_overlays_trampoline_lowered:
0x8: {  	[smem:$0x3FAD] =	sst s0  }
0x9: {  	[smem:$0x3FAE] =	sst s1  }
0xa: {  	[smem:$0x3FAF] =	sst s2  }
0xb: {  	[smem:$0x3FB0] =	sst s3  }
0xc: {  	[smem:$0x3FB1] =	sst s4  }
0xd: {  	[smem:$0x3FB2] =	sst s5  }
0xe: {  	[smem:$0x3FB3] =	sst s6  }
0xf: {  	[smem:$0x3FB4] =	sst s7  }
0x10: {  	[smem:$0x3FB5] =	sst s8  }
0x11: {  	[smem:$0x3FB6] =	sst s9;
	s0 =	simm.s32 @!p0 $0x0  }
0x12: {  	s1 =	sld [smem:$0x3F9C];
	s0 =	simm.s32 @p0 $0x1  }
0x13: {  	[smem:$0x3FB7] =	sst s0;
	s0 =	simm.s32 @!p1 $0x0  }
0x14: {  	s2 =	sld [smem:$0x3F9B];
	s0 =	simm.s32 @p1 $0x1  }
0x15: {  	[smem:$0x3FB8] =	sst s0;
	s0 =	simm.s32 @!p2 $0x0  }
0x16: {  	s3 =	sld [smem:$0x3FDB];
	s0 =	simm.s32 @p2 $0x1  }
0x17: {  	s4 =	simm.s32 $0x1BF5;
	[smem:$0x3FBA] =	sst s0  }
0x18: {  	s0 =	sld [smem:$0x3F9D];
	_ =	swait.ge [sflag:s4], $0x0  }
0x19: {  	s7 =	sld [smem:$0x3F9E]  }
0x1a: {  	s8 =	sadd.s32 $0xFFFFE003, lr  }
0x1b: {  	s9 =	sadd.s32 $0xFFFFFEF7, lr;
	s5 =	simm.s32 $0xFFFFFFFF;
	p2 =	slt.u32 s8, $0xFFFFF086  }
0x1c: {  	p1 =	slt.u32 s9, $0xF7A;
	s5 =	simm.s32 @!p2 $0x0  }
0x1d: {  	s5 =	simm.s32 @p1 $0x1;
	p0 =	seq.s32 s7, s2  }
0x1e: {  	s7 =	smul.u32 @!p0 $0xF7A, s2;
	p2 =	seq.s32 @!p0 s5, $0x0  }
0x1f: {  	s9 =	smul.u32 $0xF7A, s1;
	s8 =	simm.s32 @!p0 $0x1BF5;
	p2 =	por !p2, p0  }
0x20: {  	[sflag:s8] =	ssyncset.s32 @!p0 $0xFFFFF086;
	s6 =	sadd.s32 @!p0 s3, s7;
	s7 =	simm.s32 @!p0 $0x108  }
0x21: {  	s3 =	sadd.s32 s3, s9;
	s6 =	sadd.s32 @!p0 $0x88, s6;
	s7 =	simm.s32 @p2 $0x1082  }
0x22: {  	[simem:s7], [sflag:s8] =	dma.local @!p0 [hbm:s6], $0xF7A  }
0x23: {  	s9 =	sor.u32 $0xD0000000, s2;
	s6 =	simm.s32 $0x108;
	_ =	swait.ge @!p0 [sflag:s8], $0x0  }
0x24: {  	s3 =	sadd.s32 $0x88, s3;
	s6 =	simm.s32 @!p1 $0x1082;
	[sflag:s4] =	ssyncset.s32 $0xFFFFF086  }
0x25: {  	[simem:s6], [sflag:s4] =	dma.local [hbm:s3], $0xF7A  }
0x26: {  	[smem:$0x3F9E] =	sst s1;
	(tag) =	ssettag s2;
	_ =	strace s9  }
0x27: {  	s1 =	sld [smem:$0x3FAE]  }
0x28: {  	s2 =	sld [smem:$0x3FAF]  }
0x29: {  	s4 =	sld [smem:$0x3FB1]  }
0x2a: {  	p0 =	seq.s32 s5, $0x0;
	s5 =	sld [smem:$0x3FB2]  }
0x2b: {  	s6 =	sld [smem:$0x3FB3]  }
0x2c: {  	s7 =	sld [smem:$0x3FB4]  }
0x2d: {  	s3 =	simm.s32 $0x108;
	s8 =	sld [smem:$0x3FB5]  }
0x2e: {  	s3 =	simm.s32 @!p0 $0x1082;
	s9 =	sld [smem:$0x3FB6]  }
0x2f: {  	lr =	sadd.s32 s0, s3;
	s0 =	sld [smem:$0x3FAD]  }
0x30: {  	s3 =	sld [smem:$0x3FB0]  }
0x31: {  	[smem:$0x3FB9] =	sst s10  }
0x32: {  	s10 =	sld [smem:$0x3FB7];
	_ =	sdelay $0x3  }
0x33: {  	p0 =	seq.s32 s10, $0x1;
	s10 =	sld [smem:$0x3FB9];
	_ =	sdelay $0x3  }
0x34: {  	[smem:$0x3FB9] =	sst s10  }
0x35: {  	s10 =	sld [smem:$0x3FB8];
	_ =	sdelay $0x3  }
0x36: {  	p1 =	seq.s32 s10, $0x1;
	s10 =	sld [smem:$0x3FB9];
	_ =	sdelay $0x3  }
0x37: {  	[smem:$0x3FB9] =	sst s10  }
0x38: {  	s10 =	sld [smem:$0x3FBA]  }
0x39: {  	_ = 	snop;
	(pc) =	sbr.ind lr, $3  }
0x3a: {  	_ = 	snop  }
0x3b: {  	_ = 	snop  }
0x3c: {  	p2 =	seq.s32 s10, $0x1;
	s10 =	sld [smem:$0x3FB9]  }
0x3d: {  	_ =	shalt  }
0x3e: {  	_ =	shalt  }
0x3f: {  	_ =	shalt  }
0x40: {  	_ =	shalt  }
0x41: {  	_ =	shalt  }
0x42: {  	_ =	shalt  }
0x43: {  	_ =	shalt  }
0x44: {  	_ =	shalt  }
0x45: {  	_ =	shalt  }
0x46: {  	_ =	shalt  }
0x47: {  	_ =	shalt  }
0x48: {  	_ =	shalt  }
0x49: {  	_ =	shalt  }
0x4a: {  	_ =	shalt  }
0x4b: {  	_ =	shalt  }
0x4c: {  	_ =	shalt  }
0x4d: {  	_ =	shalt  }
0x4e: {  	_ =	shalt  }
0x4f: {  	_ =	shalt  }
0x50: {  	_ =	shalt  }
0x51: {  	_ =	shalt  }
0x52: {  	_ =	shalt  }
0x53: {  	_ =	shalt  }
0x54: {  	_ =	shalt  }
0x55: {  	_ =	shalt  }
0x56: {  	_ =	shalt  }
0x57: {  	_ =	shalt  }
0x58: {  	_ =	shalt  }
0x59: {  	_ =	shalt  }
0x5a: {  	_ =	shalt  }
0x5b: {  	_ =	shalt  }
0x5c: {  	_ =	shalt  }
0x5d: {  	_ =	shalt  }
0x5e: {  	_ =	shalt  }
0x5f: {  	_ =	shalt  }
0x60: {  	_ =	shalt  }
0x61: {  	_ =	shalt  }
0x62: {  	_ =	shalt  }
0x63: {  	_ =	shalt  }
0x64: {  	_ =	shalt  }
0x65: {  	_ =	shalt  }
0x66: {  	_ =	shalt  }
0x67: {  	_ =	shalt  }
0x68: {  	_ =	shalt  }
0x69: {  	_ =	shalt  }
0x6a: {  	_ =	shalt  }
0x6b: {  	_ =	shalt  }
0x6c: {  	_ =	shalt  }
0x6d: {  	_ =	shalt  }
0x6e: {  	_ =	shalt  }
0x6f: {  	_ =	shalt  }
0x70: {  	_ =	shalt  }
0x71: {  	_ =	shalt  }
0x72: {  	_ =	shalt  }
0x73: {  	_ =	shalt  }
0x74: {  	_ =	shalt  }
0x75: {  	_ =	shalt  }
0x76: {  	_ =	shalt  }
0x77: {  	_ =	shalt  }
0x78: {  	_ =	shalt  }
0x79: {  	_ =	shalt  }
0x7a: {  	_ =	shalt  }
0x7b: {  	_ =	shalt  }
0x7c: {  	_ =	shalt  }
0x7d: {  	_ =	shalt  }
0x7e: {  	_ =	shalt  }
0x7f: {  	_ =	shalt  }
0x80: {  	_ =	shalt  }
0x81: {  	_ =	shalt  }
0x82: {  	_ =	shalt  }
0x83: {  	_ =	shalt  }
0x84: {  	_ =	shalt  }
0x85: {  	_ =	shalt  }
0x86: {  	_ =	shalt  }
0x87: {  	_ =	shalt  }
.Lfunc_end0:
.L_simem_size_0:
called_computation.1_lowered:
.L_overlay_start_0:
0x88: {  	s0 =	sld [smem:$0x3FD9]  }
0x89: {  	s1 =	sld [smem:$0x3FFE];
	_ =	sdelay $0x3  }
0x8a: {  	s0 =	sadd.s32 s1, s0  }
0x8b: {  	[smem:$0x3FC5] =	sst s0  }
0x8c: {  	_ = 	snop  }
0x8d: {  	(tm) =	ssettm $0x1  }
0x8e: {  	s15 =	sld [smem:$0x3FFB];
	_ =	sdelay $0x3  }
0x8f: {  	_ =	strace s15  }
0x90: {  	s0 =	sld [smem:$0x3FFC];
	_ =	sdelay $0x3  }
0x91: {  	_ =	strace s0  }
0x92: {  	s0 =	sld [smem:$0x3FFD];
	_ =	sdelay $0x3  }
0x93: {  	_ =	strace s0  }
0x94: {  	_ =	strace $0x8FFFFFFF  }
0x95: {  	s16 =	sld [smem:$0x3FDB];
	_ =	sdelay $0x1  }
0x96: {  	s17 =	simm.s32 $_scs_section_size  }
0x97: {  	s2 =	simm.s32 $_size__tile_overlayer_lowered;
	s3 =	simm.s32 $_tile_overlayer_lowered  }
0x98: {  	s20 =	simm.s32 $0x1BFF;
	s19 =	sshll.u32 s3, $0x1;
	s0 =	sadd.s32 s17, s16  }
0x99: {  	s4 =	simm.s32 $0x0;
	s18 =	sshll.u32 s2, $0x1;
	s2 =	sadd.s32 s19, s0  }
0x9a: {  	[timem:s4], [sflag:s20] =	dma.local [hbm:s2], s18  }
0x9b: {  	_ =	swait.ge [sflag:s20], s18  }
0x9c: {  	s1 =	ssub.s32 $0x0, s18;
	[sflag:s20] =	ssyncset.done $0x0  }
0x9d: {  	[sflag:s20] =	ssyncadd.s32 s1;
	_ =	sdelay $0x1  }
0x9e: {  	s21 =	simm.s32 $0x1B8B  }
0x9f: {  	_ =	swait.ge [sflag:s21], $0x1  }
0xa0: {  	[sflag:s21] =	ssyncset.done $0x0  }
0xa1: {  	s23 =	simm.s32 $0x1B8E;
	s22 =	sld [smem:$0x3FFE];
	[sflag:s21] =	ssyncadd.s32 $0xFFFFFFFF  }
0xa2: {  	s24 =	simm.s32 $execute0_lowered;
	[smem:$0x3FD2] =	sst s23  }
0xa3: {  	s2 =	sshll.u32 s24, $0x1;
	_ =	strace $0x80000049;
	[dreg:$0x1] =	wrdreg $0xFFFFFFFF  }
0xa4: {  	s25 =	simm.s32 $_size_execute0_lowered;
	s0 =	sadd.s32 s0, s2;
	[dreg:$0x0] =	wrdreg $0x0  }
0xa5: {  	s2 =	sshll.u32 s25, $0x1;
	[dreg:$0x2] =	wrdreg s0  }
0xa6: {  	[dreg:$0x3] =	wrdreg s2  }
0xa7: {  	[dreg:$0x4] =	wrdreg $0xC0  }
0xa8: {  	_ =	task [dreg:s4], $0x5FFFF  }
0xa9: {  	[dreg:$0x1] =	wrdreg $0xFFFFFFFF  }
0xaa: {  	[dreg:$0x0] =	wrdreg $0x60  }
0xab: {  	[dreg:$0x2] =	wrdreg s22  }
0xac: {  	[dreg:$0x3] =	wrdreg $0xA  }
0xad: {  	_ =	task.clear_ibuf [dreg:s4], $0x4FFFF;
	_ =	strace $0x90000049  }
0xae: {  	s26 =	simm.s32 $0xA;
	_ =	strace $0x8000004B  }
0xaf: {  	_ =	swait.ge [sflag:s26], $0x1  }
0xb0: {  	[sflag:s26] =	ssyncadd.s32 $0xFFFFFFFF  }
0xb1: {  	_ =	strace $0x9000004B  }
0xb2: {  	_ =	sfence  }
0xb3: {  	s28 =	sld [smem:$0x0];
	_ =	sdelay $0x1  }
0xb4: {  	s29 =	srdreg.scid  }
0xb5: {  	s30 =	sshll.u32 s29, $0xD;
	s31 =	sshrl.u32 s29, $0x2  }
0xb6: {  	s1 =	sand.u32 $0x1, s29;
	s2 =	sand.u32 $0x4000, s30;
	s0 =	sadd.s32 s31, s28  }
0xb7: {  	s1 =	sor.u32 s2, s1;
	s0 =	sshll.u32 s0, $0x11  }
0xb8: {  	s0 =	sor.u32 s0, s1  }
0xb9: {  	s0 =	sadd.s32 $0x8F2B, s0  }
0xba: {  	[sflag:s0] =	ssyncadd.remote.s32 $0x1  }
0xbb: {  	_ =	sfence.sel $0xFFFF  }
0xbc: {  	[dreg:$0x0] =	wrdreg $0xFFFFFFFF;
	(pc) =	sbr.abs _section_cstart, $3  }
0xbd: {  	[dreg:$0x1] =	wrdreg $0xFFFFFFFF  }
0xbe: {  	_ =	task.clear_ibuf [dreg:s4], $0x2FFFF;
	_ =	strace $0x9FFFFFFF  }
0xbf: {  	(tm) =	ssettm $0x7FFFFFFF  }
tec
execute0_lowered:
.L_overlay_start_1:
0x0: {  	(tag) =	ssettag $0x1  }
0x1: {  	s0 =	stileid.u32  }
0x2: {  	s1 =	smin.u32 s0, $0x9  }
0x3: {  	s1 =	sadd.s32 s0, s1  }
0x4: {  	p0 =	slt.u32 s0, $0x9;
	s2 =	smul.u32 $0x50, s1;
	s1 =	simm.s32 $0xA0  }
0x5: {  	s1 =	simm.s32 @!p0 $0x50  }
0x6: {  	s1 =	sadd.s32 s1, s2  }
0x7: {  	s3 =	smin.u32 s1, $0x7D0  }
0x8: {  	s7 =	ssub.s32 s3, s2  }
0x9: {  	p0 =	sgt.s32 s7, $0x0  }
0xa: {  	s7 =	simm.s32 @!p0 $0x0  }
0xb: {  	s31 =	smul.u32 $0xCCCD, s7  }
0xc: {  	s9 =	rddreg [dreg:$0x0];
	s6 =	simm.s32 $0x1;
	s11 =	simm.s32 $0x3  }
0xd: {  	s13 =	simm.s32 $0x0;
	s12 =	simm.s32 $0x0;
	s8 =	sshrl.u32 s31, $0x16  }
0xe: {  	s4 =	sadd.s32 $0x53000, s9;
	s5 =	sadd.s32 $0x52E00, s9;
	s10 =	smul.u32 $0x50, s8  }
.Ltmp0:
0xf: {  	s9 =	sadd.s32 $0xE9000, s9;
	s1 =	rddreg [dreg:$0x1];
	(pc) =	sbr.rel .LBB2_1-.Ltmp0, $4  }
0x10: {  	_ =	strace $0x8000004A;
	p0 =	sne.s32 s7, s10;
	s10 =	simm.s32 $0x1  }
0x11: {  	[sflag:s6] =	ssyncpa.u1 $0x0;
	s7 =	simm.s32 $0x2;
	s10 =	simm.s32 @!p0 $0x0  }
0x12: {  	[sflag:s7] =	ssyncpa.u1 $0x0;
	p0 =	por $0x0, $0x0;
	s8 =	sadd.s32 s8, s10  }
0x13: {  	v0 =	vimm.s32 $0x0;
	vm0 =	vmmov $0xff;
	vm1 =	vcmask $0x3F20;
	[sflag:s11] =	ssyncpa.u1 $0x0;
	s11 =	smov.u32 s2;
	s10 =	sadd.s32 $0x1, s8  }
.LBB2_6:
0x14: {  	[hbm:s17] =	stream.linear.scatter [tilespmem:s14], [sflag:$0x3], $0x400, $0x38;
	[tilespmem:$0x50A0] =	vst v63  }
.LBB2_7:
0x15: {  	s13 =	sadd.s32 $0x50, s11  }
0x16: {  	s15 =	smov.u32 s2;
	p2 =	slt.s32 s13, s3  }
0x17: {  	s15 =	smov.u32 @p2 s13;
	p2 =	sne.s32 s12, s10  }
.Ltmp1:
0x18: {  	p1 =	slt.u32 s12, $0x2;
	(pc) =	sbr.rel @!p2 .LBB2_8-.Ltmp1, $4  }
0x19: {  	s14 =	simm.s32 @!p1 $0x3  }
0x1a: {  	s16 =	sadd.s32 $0x1, s12;
	_ =	swait.ge @!p1 [sflag:s14], $0x2800  }
0x1b: {  	p0 =	por !p0, !p0;
	s13 =	smov.u32 s11;
	[sflag:s14] =	ssyncset.done @!p1 $0x0  }
0x1c: {  	s12 =	smov.u32 s16;
	s11 =	smov.u32 s15;
	[sflag:s14] =	ssyncadd.s32 @!p1 $0xFFFFD800  }
.LBB2_1:
0x1d: {  	p1 =	sge.u32 s12, s8  }
0x1e: {  	s14 =	sxor.u32 @!p1 $0xFFFFFFFF, s12  }
0x1f: {  	s14 =	sand.u32 @!p1 $0x1, s14  }
0x20: {  	s14 =	smul.u32 @!p1 $0x140, s14  }
0x21: {  	s31 =	sadd.s32 $0xFFFFFFFF, s12;
	s15 =	sshrl.u32 @!p1 s11, $0x3  }
0x22: {  	s16 =	sand.u32 @!p1 $0x7, s11;
	s15 =	sadd.s32 @!p1 s5, s15;
	s14 =	sshrl.u32 @!p1 s14, $0x2  }
0x23: {  	[tilespmem:s14], [sflag:$0x2] =	stream.linear.gather @!p1 [hbm4b:s15+s16], $0x50, $0x38;
	[tilespmem:$0x50A0] =	vst v63  }
0x24: {  	p1 =	sge.u32 s31, s8  }
.Ltmp2:
0x25: {  	_ = 	snop;
	(pc) =	sbr.rel @p1 .LBB2_7-.Ltmp2, $1  }
0x26: {  	_ =	sdelay $0x3  }
0x27: {  	s14 =	simm.s32 $0x1  }
0x28: {  	s14 =	simm.s32 @!p0 $0x0  }
0x29: {  	s15 =	smul.u32 $0x140, s14  }
0x2a: {  	_ =	swait.ge [sflag:s7], $0x50  }
0x2b: {  	[sflag:s7] =	ssyncset.done $0x0;
	s16 =	sshrl.u32 s15, $0x2  }
0x2c: {  	[sflag:s7] =	ssyncadd.s32 $0xFFFFFFB0;
	s15 =	sadd.s32 $0x0, s16  }
0x2d: {  	v1 =	vld.msk [tilespmem:s15+$0x0 ss:$0x1], $0xffff;
	_ =	sdelay $0x4  }
0x2e: {  	v2 =	vand.u32 $0x1, v1;
	v3 =	vshll.u32 v1, $0x6  }
0x2f: {  	vm2 =	veq.s32 v1, $0x80000000;
	vm3 =	veq.s32 v2, $0x1;
	v1 =	vand.u32 $0x3FFF80, v3  }
0x30: {  	v2 =	vsel vm3, $0x258000, v0;
	v1 =	vsel vm2, $0xFFFFFF80, v1  }
0x31: {  	v2 =	vsel vm2, $0xFFDA8000, v2;
	v3 =	vand.u32 $0xFFFFFC00, v1  }
0x32: {  	v1 =	vand.u32 $0x380, v1;
	v2 =	vadd.s32 v2, v3  }
0x33: {  	v1 =	vor.u32 v1, v2  }
0x34: {  	v1 =	vshrl.u32 v1, $0x3  }
0x35: {  	s14 =	smul.u32 $0xA000, s14;
	_ =	sdelay $0x1  }
0x36: {  	s14 =	sshrl.u32 s14, $0x2  }
0x37: {  	s14 =	sor.u32 $0xA0, s14  }
0x38: {  	[tilespmem:s14], [sflag:$0x1] =	stream.indirect_vreg.gather [hbm:s4], $0x80, v1, vm0, $0x38;
	[tilespmem:$0x50A0] =	vst v63  }
0x39: {  	s17 =	sadd.s32 $0x10, s16;
	s15 =	sadd.s32 $0x400, s14  }
0x3a: {  	[tilespmem:s15], [sflag:$0x1] =	stream.indirect_vreg.gather [hbm:s4], $0x80, v1, vm1, $0x38;
	[tilespmem:$0x50A0] =	vst v63  }
0x3b: {  	s18 =	simm.s32 $0x80;
	v1 =	vld.msk [tilespmem:s17+$0x0 ss:$0x1], $0xffff;
	s17 =	smov.u32 s14  }
.LBB2_3:
0x3c: {  	p1 =	sne.s32 s18, $0x100;
	_ =	sdelay $0x4  }
0x3d: {  	v2 =	vand.u32 $0x1, v1;
	v3 =	vshll.u32 v1, $0x6  }
0x3e: {  	vm2 =	veq.s32 v1, $0x80000000;
	vm3 =	veq.s32 v2, $0x1;
	v1 =	vand.u32 $0x3FFF80, v3  }
0x3f: {  	v2 =	vsel vm3, $0x258000, v0;
	v1 =	vsel vm2, $0xFFFFFF80, v1  }
0x40: {  	v2 =	vsel vm2, $0xFFDA8000, v2;
	v3 =	vand.u32 $0xFFFFFC00, v1  }
0x41: {  	v1 =	vand.u32 $0x380, v1;
	v2 =	vadd.s32 v2, v3  }
0x42: {  	v1 =	vor.u32 v1, v2  }
0x43: {  	v1 =	vshrl.u32 v1, $0x3;
	_ =	sdelay $0x3  }
.Ltmp3:
0x44: {  	s19 =	sshra.s32 s18, $0x2;
	s17 =	sadd.s32 $0x800, s17;
	(pc) =	sbr.rel @p1 .LBB2_3-.Ltmp3, $4  }
0x45: {  	[tilespmem:s17], [sflag:$0x1] =	stream.indirect_vreg.gather [hbm:s4], $0x80, v1, vm0, $0x38;
	[tilespmem:$0x50A0] =	vst v63  }
0x46: {  	s19 =	sadd.s32 s19, s16;
	s20 =	sadd.s32 $0x400, s17  }
0x47: {  	[tilespmem:s20], [sflag:$0x1] =	stream.indirect_vreg.gather [hbm:s4], $0x80, v1, vm1, $0x38;
	[tilespmem:$0x50A0] =	vst v63  }
0x48: {  	s18 =	sadd.s32 $0x40, s18;
	v1 =	vld.msk [tilespmem:s19+$0x0 ss:$0x1], $0xffff  }
0x49: {  	_ =	sdelay $0x3  }
0x4a: {  	v2 =	vand.u32 $0x1, v1;
	v3 =	vshll.u32 v1, $0x6  }
0x4b: {  	vm2 =	veq.s32 v1, $0x80000000;
	vm3 =	veq.s32 v2, $0x1;
	v1 =	vand.u32 $0x3FFF80, v3  }
0x4c: {  	v2 =	vsel vm3, $0x258000, v0;
	v1 =	vsel vm2, $0xFFFFFF80, v1  }
0x4d: {  	v2 =	vsel vm2, $0xFFDA8000, v2;
	v3 =	vand.u32 $0xFFFFFC00, v1  }
0x4e: {  	v1 =	vand.u32 $0x380, v1;
	v2 =	vadd.s32 v2, v3  }
0x4f: {  	v1 =	vor.u32 v1, v2  }
0x50: {  	v1 =	vshrl.u32 v1, $0x3;
	_ =	sdelay $0x3  }
0x51: {  	s16 =	sadd.s32 $0x800, s17  }
0x52: {  	[tilespmem:s16], [sflag:$0x1] =	stream.indirect_vreg.gather [hbm:s4], $0x80, v1, vm0, $0x38;
	[tilespmem:$0x50A0] =	vst v63  }
0x53: {  	s16 =	sadd.s32 $0x400, s16  }
0x54: {  	[tilespmem:s16], [sflag:$0x1] =	stream.indirect_vreg.gather [hbm:s4], $0x80, v1, vm1, $0x38;
	[tilespmem:$0x50A0] =	vst v63  }
0x55: {  	s13 =	sshll.u32 s13, $0x4;
	_ =	swait.ge [sflag:s6], $0x2800  }
0x56: {  	s13 =	sadd.s32 s13, s9;
	[sflag:s6] =	ssyncset.done $0x0  }
0x57: {  	s17 =	sadd.s32 $0x0, s13;
	s16 =	simm.s32 $0x80;
	[sflag:s6] =	ssyncadd.s32 $0xFFFFD800  }
.LBB2_5:
0x58: {  	[hbm:s17] =	stream.linear.scatter [tilespmem:s14], [sflag:$0x3], $0x400, $0x38;
	[tilespmem:$0x50A0] =	vst v63  }
0x59: {  	s17 =	smov.u32 s16;
	s14 =	smov.u32 s15;
	p1 =	sne.s32 s16, $0x480  }
.Ltmp4:
0x5a: {  	s16 =	sadd.s32 $0x80, s16;
	(pc) =	sbr.rel @p1 .LBB2_5-.Ltmp4, $2  }
0x5b: {  	_ =	sdelay $0x2  }
0x5c: {  	s15 =	sadd.s32 $0x400, s15;
	s17 =	sadd.s32 s17, s13  }
.Ltmp5:
0x5d: {  	_ = 	snop;
	(pc) =	sbr.rel .LBB2_6-.Ltmp5, $1  }
0x5e: {  	_ =	sdelay $0x3  }
.LBB2_8:
0x5f: {  	_ =	sfence.sel $0x180000  }
0x60: {  	s2 =	simm.s32 $0x2;
	[bflag:$0x0] =	sbarrier.arrive $0xFFFF  }
0x61: {  	s30 =	simm.s32 $0x3;
	[sflag:s2] =	ssyncpa.u1 $0x1  }
0x62: {  	s31 =	simm.s32 $0x1;
	[sflag:s30] =	ssyncpa.u1 $0x1  }
0x63: {  	[sflag:s31] =	ssyncpa.u1 $0x1  }
0x64: {  	p0 =	sne.s32 s0, $0x0;
	_ =	strace $0x9000004A  }
0x65: {  	s0 =	sadd.s32 @!p0 $0x100000, s1;
	[bflag:$0x2] =	sbarrier.arrive $0xFFFF  }
0x66: {  	[sflag:s0] =	ssyncadd.tile.s32 @!p0 $0x1;
	_ =	shalt  }
.Lfunc_end2:
_tile_overlayer_lowered:
.L_overlay_start_2:
0x67: {  	(tag) =	ssettag $0x2  }
0x68: {  	s0 =	rddreg [dreg:$0x0];
	s2 =	stileid.u32  }
0x69: {  	s1 =	rddreg [dreg:$0x1];
	p0 =	sne.s32 s2, $0x0  }
0x6a: {  	s3 =	rddreg [dreg:$0x2];
	[bflag:$0x3] =	sbarrier.arrive $0xFFFF;
	s2 =	simm.s32 @!p0 $0x1C01  }
0x6b: {  	[timem:s3], [sflag:s2] =	dma.local @!p0 [hbm:s0], s1  }
0x6c: {  	s0 =	simm.s32 @!p0 $0x1  }
0x6d: {  	_ =	swait.ge @!p0 [sflag:s0], s1  }
0x6e: {  	s1 =	ssub.s32 @!p0 $0x0, s1;
	[sflag:s0] =	ssyncset.done @!p0 $0x0  }
0x6f: {  	[sflag:s0] =	ssyncadd.s32 @!p0 s1  }
0x70: {  	[bflag:$0x3] =	sbarrier.arrive $0xFFFF  }
0x71: {  	_ =	shalt  }

// kernel: gather_offload_async_start
scs
__scs_entry_jumppad:
0x0: {  	(pc) =	sbr.rel $0x88, $3  }
0x1: {  	(tag) =	ssettag $0x0;
	lr =	simm.s32 $0x1  }
0x2: {  	[smem:$0x3F9E] =	sst lr;
	_ =	strace $0xD0000000  }
0x3: {  	_ = 	snop  }
0x4: {  	_ = 	snop  }
0x5: {  	_ = 	snop  }
0x6: {  	_ = 	snop  }
0x7: {  	_ = 	snop  }
__scs_overlays_trampoline_lowered:
0x8: {  	[smem:$0x3FAD] =	sst s0  }
0x9: {  	[smem:$0x3FAE] =	sst s1  }
0xa: {  	[smem:$0x3FAF] =	sst s2  }
0xb: {  	[smem:$0x3FB0] =	sst s3  }
0xc: {  	[smem:$0x3FB1] =	sst s4  }
0xd: {  	[smem:$0x3FB2] =	sst s5  }
0xe: {  	[smem:$0x3FB3] =	sst s6  }
0xf: {  	[smem:$0x3FB4] =	sst s7  }
0x10: {  	[smem:$0x3FB5] =	sst s8  }
0x11: {  	[smem:$0x3FB6] =	sst s9;
	s0 =	simm.s32 @!p0 $0x0  }
0x12: {  	s1 =	sld [smem:$0x3F9C];
	s0 =	simm.s32 @p0 $0x1  }
0x13: {  	[smem:$0x3FB7] =	sst s0;
	s0 =	simm.s32 @!p1 $0x0  }
0x14: {  	s2 =	sld [smem:$0x3F9B];
	s0 =	simm.s32 @p1 $0x1  }
0x15: {  	[smem:$0x3FB8] =	sst s0;
	s0 =	simm.s32 @!p2 $0x0  }
0x16: {  	s3 =	sld [smem:$0x3FDB];
	s0 =	simm.s32 @p2 $0x1  }
0x17: {  	s4 =	simm.s32 $0x1BF5;
	[smem:$0x3FBA] =	sst s0  }
0x18: {  	s0 =	sld [smem:$0x3F9D];
	_ =	swait.ge [sflag:s4], $0x0  }
0x19: {  	s7 =	sld [smem:$0x3F9E]  }
0x1a: {  	s8 =	sadd.s32 $0xFFFFE003, lr  }
0x1b: {  	s9 =	sadd.s32 $0xFFFFFEF7, lr;
	s5 =	simm.s32 $0xFFFFFFFF;
	p2 =	slt.u32 s8, $0xFFFFF086  }
0x1c: {  	p1 =	slt.u32 s9, $0xF7A;
	s5 =	simm.s32 @!p2 $0x0  }
0x1d: {  	s5 =	simm.s32 @p1 $0x1;
	p0 =	seq.s32 s7, s2  }
0x1e: {  	s7 =	smul.u32 @!p0 $0xF7A, s2;
	p2 =	seq.s32 @!p0 s5, $0x0  }
0x1f: {  	s9 =	smul.u32 $0xF7A, s1;
	s8 =	simm.s32 @!p0 $0x1BF5;
	p2 =	por !p2, p0  }
0x20: {  	[sflag:s8] =	ssyncset.s32 @!p0 $0xFFFFF086;
	s6 =	sadd.s32 @!p0 s3, s7;
	s7 =	simm.s32 @!p0 $0x108  }
0x21: {  	s3 =	sadd.s32 s3, s9;
	s6 =	sadd.s32 @!p0 $0x88, s6;
	s7 =	simm.s32 @p2 $0x1082  }
0x22: {  	[simem:s7], [sflag:s8] =	dma.local @!p0 [hbm:s6], $0xF7A  }
0x23: {  	s9 =	sor.u32 $0xD0000000, s2;
	s6 =	simm.s32 $0x108;
	_ =	swait.ge @!p0 [sflag:s8], $0x0  }
0x24: {  	s3 =	sadd.s32 $0x88, s3;
	s6 =	simm.s32 @!p1 $0x1082;
	[sflag:s4] =	ssyncset.s32 $0xFFFFF086  }
0x25: {  	[simem:s6], [sflag:s4] =	dma.local [hbm:s3], $0xF7A  }
0x26: {  	[smem:$0x3F9E] =	sst s1;
	(tag) =	ssettag s2;
	_ =	strace s9  }
0x27: {  	s1 =	sld [smem:$0x3FAE]  }
0x28: {  	s2 =	sld [smem:$0x3FAF]  }
0x29: {  	s4 =	sld [smem:$0x3FB1]  }
0x2a: {  	p0 =	seq.s32 s5, $0x0;
	s5 =	sld [smem:$0x3FB2]  }
0x2b: {  	s6 =	sld [smem:$0x3FB3]  }
0x2c: {  	s7 =	sld [smem:$0x3FB4]  }
0x2d: {  	s3 =	simm.s32 $0x108;
	s8 =	sld [smem:$0x3FB5]  }
0x2e: {  	s3 =	simm.s32 @!p0 $0x1082;
	s9 =	sld [smem:$0x3FB6]  }
0x2f: {  	lr =	sadd.s32 s0, s3;
	s0 =	sld [smem:$0x3FAD]  }
0x30: {  	s3 =	sld [smem:$0x3FB0]  }
0x31: {  	[smem:$0x3FB9] =	sst s10  }
0x32: {  	s10 =	sld [smem:$0x3FB7];
	_ =	sdelay $0x3  }
0x33: {  	p0 =	seq.s32 s10, $0x1;
	s10 =	sld [smem:$0x3FB9];
	_ =	sdelay $0x3  }
0x34: {  	[smem:$0x3FB9] =	sst s10  }
0x35: {  	s10 =	sld [smem:$0x3FB8];
	_ =	sdelay $0x3  }
0x36: {  	p1 =	seq.s32 s10, $0x1;
	s10 =	sld [smem:$0x3FB9];
	_ =	sdelay $0x3  }
0x37: {  	[smem:$0x3FB9] =	sst s10  }
0x38: {  	s10 =	sld [smem:$0x3FBA]  }
0x39: {  	_ = 	snop;
	(pc) =	sbr.ind lr, $3  }
0x3a: {  	_ = 	snop  }
0x3b: {  	_ = 	snop  }
0x3c: {  	p2 =	seq.s32 s10, $0x1;
	s10 =	sld [smem:$0x3FB9]  }
0x3d: {  	_ =	shalt  }
0x3e: {  	_ =	shalt  }
0x3f: {  	_ =	shalt  }
0x40: {  	_ =	shalt  }
0x41: {  	_ =	shalt  }
0x42: {  	_ =	shalt  }
0x43: {  	_ =	shalt  }
0x44: {  	_ =	shalt  }
0x45: {  	_ =	shalt  }
0x46: {  	_ =	shalt  }
0x47: {  	_ =	shalt  }
0x48: {  	_ =	shalt  }
0x49: {  	_ =	shalt  }
0x4a: {  	_ =	shalt  }
0x4b: {  	_ =	shalt  }
0x4c: {  	_ =	shalt  }
0x4d: {  	_ =	shalt  }
0x4e: {  	_ =	shalt  }
0x4f: {  	_ =	shalt  }
0x50: {  	_ =	shalt  }
0x51: {  	_ =	shalt  }
0x52: {  	_ =	shalt  }
0x53: {  	_ =	shalt  }
0x54: {  	_ =	shalt  }
0x55: {  	_ =	shalt  }
0x56: {  	_ =	shalt  }
0x57: {  	_ =	shalt  }
0x58: {  	_ =	shalt  }
0x59: {  	_ =	shalt  }
0x5a: {  	_ =	shalt  }
0x5b: {  	_ =	shalt  }
0x5c: {  	_ =	shalt  }
0x5d: {  	_ =	shalt  }
0x5e: {  	_ =	shalt  }
0x5f: {  	_ =	shalt  }
0x60: {  	_ =	shalt  }
0x61: {  	_ =	shalt  }
0x62: {  	_ =	shalt  }
0x63: {  	_ =	shalt  }
0x64: {  	_ =	shalt  }
0x65: {  	_ =	shalt  }
0x66: {  	_ =	shalt  }
0x67: {  	_ =	shalt  }
0x68: {  	_ =	shalt  }
0x69: {  	_ =	shalt  }
0x6a: {  	_ =	shalt  }
0x6b: {  	_ =	shalt  }
0x6c: {  	_ =	shalt  }
0x6d: {  	_ =	shalt  }
0x6e: {  	_ =	shalt  }
0x6f: {  	_ =	shalt  }
0x70: {  	_ =	shalt  }
0x71: {  	_ =	shalt  }
0x72: {  	_ =	shalt  }
0x73: {  	_ =	shalt  }
0x74: {  	_ =	shalt  }
0x75: {  	_ =	shalt  }
0x76: {  	_ =	shalt  }
0x77: {  	_ =	shalt  }
0x78: {  	_ =	shalt  }
0x79: {  	_ =	shalt  }
0x7a: {  	_ =	shalt  }
0x7b: {  	_ =	shalt  }
0x7c: {  	_ =	shalt  }
0x7d: {  	_ =	shalt  }
0x7e: {  	_ =	shalt  }
0x7f: {  	_ =	shalt  }
0x80: {  	_ =	shalt  }
0x81: {  	_ =	shalt  }
0x82: {  	_ =	shalt  }
0x83: {  	_ =	shalt  }
0x84: {  	_ =	shalt  }
0x85: {  	_ =	shalt  }
0x86: {  	_ =	shalt  }
0x87: {  	_ =	shalt  }
.Lfunc_end0:
.L_simem_size_0:
called_computation_lowered:
.L_overlay_start_0:
0x88: {  	s0 =	sld [smem:$0x3FD9]  }
0x89: {  	s1 =	sld [smem:$0x3FFE];
	_ =	sdelay $0x3  }
0x8a: {  	s0 =	sadd.s32 s1, s0  }
0x8b: {  	[smem:$0x3FC5] =	sst s0  }
0x8c: {  	_ = 	snop  }
0x8d: {  	s0 =	sld [smem:$0x3FD0];
	(tm) =	ssettm $0x1  }
0x8e: {  	s16 =	sld [smem:$0x3FFB];
	_ =	sdelay $0x3  }
0x8f: {  	_ =	strace s16  }
0x90: {  	s1 =	sld [smem:$0x3FFC];
	_ =	sdelay $0x3  }
0x91: {  	_ =	strace s1  }
0x92: {  	s1 =	sld [smem:$0x3FFD];
	_ =	sdelay $0x3  }
0x93: {  	_ =	strace s1  }
0x94: {  	_ =	strace $0x8FFFFFFF  }
0x95: {  	s17 =	sld [smem:$0x3FDB];
	_ =	sdelay $0x1  }
0x96: {  	s2 =	simm.s32 $_scs_section_size  }
0x97: {  	s3 =	simm.s32 $_size__tile_overlayer_lowered;
	s4 =	simm.s32 $_tile_overlayer_lowered  }
0x98: {  	s20 =	simm.s32 $0x1BFF;
	s19 =	sshll.u32 s4, $0x1;
	s1 =	sadd.s32 s2, s17  }
0x99: {  	s5 =	simm.s32 $0x0;
	s18 =	sshll.u32 s3, $0x1;
	s3 =	sadd.s32 s19, s1  }
0x9a: {  	[timem:s5], [sflag:s20] =	dma.local [hbm:s3], s18  }
0x9b: {  	_ =	swait.ge [sflag:s20], s18  }
0x9c: {  	s2 =	ssub.s32 $0x0, s18;
	[sflag:s20] =	ssyncset.done $0x0  }
0x9d: {  	[sflag:s20] =	ssyncadd.s32 s2;
	_ =	sdelay $0x1  }
0x9e: {  	s21 =	simm.s32 $0x1B8B  }
0x9f: {  	_ =	swait.ge [sflag:s21], $0x1  }
0xa0: {  	[sflag:s21] =	ssyncset.done $0x0  }
0xa1: {  	s23 =	simm.s32 $0x1B8E;
	s22 =	sld [smem:$0x3FFE];
	[sflag:s21] =	ssyncadd.s32 $0xFFFFFFFF  }
0xa2: {  	s24 =	simm.s32 $execute0_lowered;
	[smem:$0x3FD2] =	sst s23  }
0xa3: {  	s3 =	sshll.u32 s24, $0x1;
	_ =	strace $0x80000046;
	[dreg:$0x1] =	wrdreg $0xFFFFFFFF  }
0xa4: {  	s25 =	simm.s32 $_size_execute0_lowered;
	s1 =	sadd.s32 s1, s3;
	[dreg:$0x0] =	wrdreg $0x0  }
0xa5: {  	s3 =	sshll.u32 s25, $0x1;
	[dreg:$0x2] =	wrdreg s1  }
0xa6: {  	[dreg:$0x3] =	wrdreg s3  }
0xa7: {  	[dreg:$0x4] =	wrdreg $0xC0  }
0xa8: {  	_ =	task [dreg:s5], $0x5FFFF  }
0xa9: {  	[dreg:$0x1] =	wrdreg $0xFFFFFFFF  }
0xaa: {  	[dreg:$0x0] =	wrdreg $0x60  }
0xab: {  	[dreg:$0x2] =	wrdreg s22  }
0xac: {  	[dreg:$0x3] =	wrdreg s0  }
0xad: {  	[dreg:$0x4] =	wrdreg $0x9  }
0xae: {  	_ =	task.clear_ibuf [dreg:s5], $0x5FFFF;
	_ =	strace $0x90000046  }
0xaf: {  	s26 =	simm.s32 $0x9;
	_ =	strace $0x80000048  }
0xb0: {  	_ =	swait.ge [sflag:s26], $0x1  }
0xb1: {  	[sflag:s26] =	ssyncadd.s32 $0xFFFFFFFF  }
0xb2: {  	_ =	strace $0x90000048  }
0xb3: {  	_ =	sfence  }
0xb4: {  	s28 =	sld [smem:$0x0];
	_ =	sdelay $0x1  }
0xb5: {  	s29 =	srdreg.scid  }
0xb6: {  	s30 =	sshll.u32 s29, $0xD;
	s31 =	sshrl.u32 s29, $0x2  }
0xb7: {  	s2 =	sand.u32 $0x4000, s30;
	s1 =	sand.u32 $0x1, s29;
	s0 =	sadd.s32 s31, s28  }
0xb8: {  	s1 =	sor.u32 s2, s1;
	s0 =	sshll.u32 s0, $0x11  }
0xb9: {  	s0 =	sor.u32 s0, s1  }
0xba: {  	s0 =	sadd.s32 $0x8F2B, s0  }
0xbb: {  	[sflag:s0] =	ssyncadd.remote.s32 $0x1  }
0xbc: {  	_ =	sfence.sel $0xFFFF  }
0xbd: {  	[dreg:$0x0] =	wrdreg $0xFFFFFFFF;
	(pc) =	sbr.abs _section_cstart, $3  }
0xbe: {  	[dreg:$0x1] =	wrdreg $0xFFFFFFFF  }
0xbf: {  	_ =	task.clear_ibuf [dreg:s5], $0x2FFFF;
	_ =	strace $0x9FFFFFFF  }
0xc0: {  	(tm) =	ssettm $0x7FFFFFFF  }
0xc1: {  	_ =	shalt  }
tec
execute0_lowered:
.L_overlay_start_1:
0x0: {  	(tag) =	ssettag $0x1  }
0x1: {  	s0 =	stileid.u32  }
0x2: {  	s1 =	smin.u32 s0, $0x9  }
0x3: {  	s1 =	sadd.s32 s0, s1  }
0x4: {  	s2 =	simm.s32 $0xA0;
	p0 =	slt.u32 s0, $0x9;
	s1 =	smul.u32 $0x50, s1  }
0x5: {  	s2 =	simm.s32 @!p0 $0x50  }
0x6: {  	s2 =	sadd.s32 s2, s1  }
0x7: {  	s3 =	smin.u32 s2, $0x7D0  }
0x8: {  	s7 =	ssub.s32 s3, s1  }
0x9: {  	p0 =	sgt.s32 s7, $0x0  }
0xa: {  	s7 =	simm.s32 @!p0 $0x0  }
0xb: {  	s4 =	rddreg [dreg:$0x0];
	s31 =	smul.u32 $0xCCCD, s7  }
0xc: {  	s5 =	rddreg [dreg:$0x1]  }
0xd: {  	s6 =	simm.s32 $0x1;
	s10 =	simm.s32 $0x3;
	s8 =	sshrl.u32 s31, $0x16  }
0xe: {  	s13 =	simm.s32 $0x0;
	s12 =	simm.s32 $0x0;
	s9 =	smul.u32 $0x50, s8  }
.Ltmp0:
0xf: {  	s11 =	smov.u32 s1;
	s2 =	rddreg [dreg:$0x2];
	(pc) =	sbr.rel .LBB2_1-.Ltmp0, $4  }
0x10: {  	_ =	strace $0x80000047;
	p0 =	sne.s32 s7, s9;
	s9 =	simm.s32 $0x1  }
0x11: {  	[sflag:s6] =	ssyncpa.u1 $0x0;
	s7 =	simm.s32 $0x2;
	s9 =	simm.s32 @!p0 $0x0  }
0x12: {  	[sflag:s7] =	ssyncpa.u1 $0x0;
	p0 =	por $0x0, $0x0;
	s8 =	sadd.s32 s8, s9  }
0x13: {  	vm0 =	vmmov $0xff;
	vm1 =	vcmask $0x3F20;
	s9 =	sadd.s32 $0x4B000, s4;
	[sflag:s10] =	ssyncpa.u1 $0x0;
	s10 =	sadd.s32 $0x1, s8  }
.LBB2_6:
0x14: {  	[hbm:s17] =	stream.linear.scatter [tilespmem:s14], [sflag:$0x3], $0x400, $0x38;
	[tilespmem:$0x50A0] =	vst v63  }
.LBB2_7:
0x15: {  	s13 =	sadd.s32 $0x50, s11  }
0x16: {  	s15 =	smov.u32 s1;
	p2 =	slt.s32 s13, s3  }
0x17: {  	s15 =	smov.u32 @p2 s13;
	p2 =	sne.s32 s12, s10  }
.Ltmp1:
0x18: {  	p1 =	slt.u32 s12, $0x2;
	(pc) =	sbr.rel @!p2 .LBB2_8-.Ltmp1, $4  }
0x19: {  	s14 =	simm.s32 @!p1 $0x3  }
0x1a: {  	s16 =	sadd.s32 $0x1, s12;
	_ =	swait.ge @!p1 [sflag:s14], $0x2800  }
0x1b: {  	p0 =	por !p0, !p0;
	s13 =	smov.u32 s11;
	[sflag:s14] =	ssyncset.done @!p1 $0x0  }
0x1c: {  	s12 =	smov.u32 s16;
	s11 =	smov.u32 s15;
	[sflag:s14] =	ssyncadd.s32 @!p1 $0xFFFFD800  }
.LBB2_1:
0x1d: {  	p1 =	sge.u32 s12, s8  }
0x1e: {  	s14 =	sxor.u32 @!p1 $0xFFFFFFFF, s12  }
0x1f: {  	s14 =	sand.u32 @!p1 $0x1, s14  }
0x20: {  	s14 =	smul.u32 @!p1 $0x140, s14  }
0x21: {  	s31 =	sadd.s32 $0xFFFFFFFF, s12;
	s15 =	sshrl.u32 @!p1 s11, $0x3  }
0x22: {  	s16 =	sand.u32 @!p1 $0x7, s11;
	s15 =	sadd.s32 @!p1 s5, s15;
	s14 =	sshrl.u32 @!p1 s14, $0x2  }
0x23: {  	[tilespmem:s14], [sflag:$0x2] =	stream.linear.gather @!p1 [hbm4b:s15+s16], $0x50, $0x38;
	[tilespmem:$0x50A0] =	vst v63  }
0x24: {  	p1 =	sge.u32 s31, s8  }
.Ltmp2:
0x25: {  	_ = 	snop;
	(pc) =	sbr.rel @p1 .LBB2_7-.Ltmp2, $1  }
0x26: {  	_ =	sdelay $0x3  }
0x27: {  	s14 =	simm.s32 $0x1  }
0x28: {  	s14 =	simm.s32 @!p0 $0x0  }
0x29: {  	s15 =	smul.u32 $0x140, s14  }
0x2a: {  	_ =	swait.ge [sflag:s7], $0x50  }
0x2b: {  	[sflag:s7] =	ssyncset.done $0x0;
	s16 =	sshrl.u32 s15, $0x2  }
0x2c: {  	[sflag:s7] =	ssyncadd.s32 $0xFFFFFFB0;
	s15 =	sadd.s32 $0x0, s16  }
0x2d: {  	v0 =	vld.msk [tilespmem:s15+$0x0 ss:$0x1], $0xffff;
	_ =	sdelay $0x4  }
0x2e: {  	vm2 =	vgt.s32 v0, $0x0  }
0x2f: {  	v0 =	vnsel vm2, $0x0, v0  }
0x30: {  	v0 =	vmin.u32 v0, $0x4AFF  }
0x31: {  	v0 =	vshll.u32 v0, $0x4  }
0x32: {  	s14 =	smul.u32 $0xA000, s14;
	_ =	sdelay $0x1  }
0x33: {  	s14 =	sshrl.u32 s14, $0x2  }
0x34: {  	s14 =	sor.u32 $0xA0, s14  }
0x35: {  	[tilespmem:s14], [sflag:$0x1] =	stream.indirect_vreg.gather [hbm:s4], $0x80, v0, vm0, $0x38;
	[tilespmem:$0x50A0] =	vst v63  }
0x36: {  	s17 =	sadd.s32 $0x10, s16;
	s15 =	sadd.s32 $0x400, s14  }
0x37: {  	[tilespmem:s15], [sflag:$0x1] =	stream.indirect_vreg.gather [hbm:s4], $0x80, v0, vm1, $0x38;
	[tilespmem:$0x50A0] =	vst v63  }
0x38: {  	s18 =	simm.s32 $0x80;
	v0 =	vld.msk [tilespmem:s17+$0x0 ss:$0x1], $0xffff;
	s17 =	smov.u32 s14  }
.LBB2_3:
0x39: {  	p1 =	sne.s32 s18, $0x100;
	_ =	sdelay $0x4  }
0x3a: {  	vm2 =	vgt.s32 v0, $0x0  }
0x3b: {  	v0 =	vnsel vm2, $0x0, v0  }
0x3c: {  	v0 =	vmin.u32 v0, $0x4AFF  }
0x3d: {  	v0 =	vshll.u32 v0, $0x4;
	_ =	sdelay $0x3  }
.Ltmp3:
0x3e: {  	s19 =	sshra.s32 s18, $0x2;
	s17 =	sadd.s32 $0x800, s17;
	(pc) =	sbr.rel @p1 .LBB2_3-.Ltmp3, $4  }
0x3f: {  	[tilespmem:s17], [sflag:$0x1] =	stream.indirect_vreg.gather [hbm:s4], $0x80, v0, vm0, $0x38;
	[tilespmem:$0x50A0] =	vst v63  }
0x40: {  	s19 =	sadd.s32 s19, s16;
	s20 =	sadd.s32 $0x400, s17  }
0x41: {  	[tilespmem:s20], [sflag:$0x1] =	stream.indirect_vreg.gather [hbm:s4], $0x80, v0, vm1, $0x38;
	[tilespmem:$0x50A0] =	vst v63  }
0x42: {  	s18 =	sadd.s32 $0x40, s18;
	v0 =	vld.msk [tilespmem:s19+$0x0 ss:$0x1], $0xffff  }
0x43: {  	_ =	sdelay $0x3  }
0x44: {  	vm2 =	vgt.s32 v0, $0x0  }
0x45: {  	v0 =	vnsel vm2, $0x0, v0  }
0x46: {  	v0 =	vmin.u32 v0, $0x4AFF  }
0x47: {  	v0 =	vshll.u32 v0, $0x4;
	_ =	sdelay $0x3  }
0x48: {  	s16 =	sadd.s32 $0x800, s17  }
0x49: {  	[tilespmem:s16], [sflag:$0x1] =	stream.indirect_vreg.gather [hbm:s4], $0x80, v0, vm0, $0x38;
	[tilespmem:$0x50A0] =	vst v63  }
0x4a: {  	s16 =	sadd.s32 $0x400, s16  }
0x4b: {  	[tilespmem:s16], [sflag:$0x1] =	stream.indirect_vreg.gather [hbm:s4], $0x80, v0, vm1, $0x38;
	[tilespmem:$0x50A0] =	vst v63  }
0x4c: {  	s13 =	sshll.u32 s13, $0x4;
	_ =	swait.ge [sflag:s6], $0x2800  }
0x4d: {  	s13 =	sadd.s32 s13, s9;
	[sflag:s6] =	ssyncset.done $0x0  }
0x4e: {  	s17 =	sadd.s32 $0x0, s13;
	s16 =	simm.s32 $0x80;
	[sflag:s6] =	ssyncadd.s32 $0xFFFFD800  }
.LBB2_5:
0x4f: {  	[hbm:s17] =	stream.linear.scatter [tilespmem:s14], [sflag:$0x3], $0x400, $0x38;
	[tilespmem:$0x50A0] =	vst v63  }
0x50: {  	s17 =	smov.u32 s16;
	s14 =	smov.u32 s15;
	p1 =	sne.s32 s16, $0x480  }
.Ltmp4:
0x51: {  	s16 =	sadd.s32 $0x80, s16;
	(pc) =	sbr.rel @p1 .LBB2_5-.Ltmp4, $2  }
0x52: {  	_ =	sdelay $0x2  }
0x53: {  	s15 =	sadd.s32 $0x400, s15;
	s17 =	sadd.s32 s17, s13  }
.Ltmp5:
0x54: {  	_ = 	snop;
	(pc) =	sbr.rel .LBB2_6-.Ltmp5, $1  }
0x55: {  	_ =	sdelay $0x3  }
.LBB2_8:
0x56: {  	_ =	sfence.sel $0x180000  }
0x57: {  	s1 =	simm.s32 $0x2;
	[bflag:$0x0] =	sbarrier.arrive $0xFFFF  }
0x58: {  	s30 =	simm.s32 $0x3;
	[sflag:s1] =	ssyncpa.u1 $0x1  }
0x59: {  	s31 =	simm.s32 $0x1;
	[sflag:s30] =	ssyncpa.u1 $0x1  }
0x5a: {  	[sflag:s31] =	ssyncpa.u1 $0x1  }
0x5b: {  	p0 =	sne.s32 s0, $0x0;
	_ =	strace $0x90000047  }
0x5c: {  	s0 =	sadd.s32 @!p0 $0x100000, s2;
	[bflag:$0x2] =	sbarrier.arrive $0xFFFF  }
0x5d: {  	[sflag:s0] =	ssyncadd.tile.s32 @!p0 $0x1;
	_ =	shalt  }
.Lfunc_end2:
_tile_overlayer_lowered:
.L_overlay_start_2:
0x5e: {  	(tag) =	ssettag $0x2  }
0x5f: {  	s0 =	rddreg [dreg:$0x0];
	s2 =	stileid.u32  }
0x60: {  	s1 =	rddreg [dreg:$0x1];
	p0 =	sne.s32 s2, $0x0  }
0x61: {  	s3 =	rddreg [dreg:$0x2];
	[bflag:$0x3] =	sbarrier.arrive $0xFFFF;
	s2 =	simm.s32 @!p0 $0x1C01  }
0x62: {  	[timem:s3], [sflag:s2] =	dma.local @!p0 [hbm:s0], s1  }
0x63: {  	s0 =	simm.s32 @!p0 $0x1  }
0x64: {  	_ =	swait.ge @!p0 [sflag:s0], s1  }
0x65: {  	s1 =	ssub.s32 @!p0 $0x0, s1;
	[sflag:s0] =	ssyncset.done @!p0 $0x0  }
0x66: {  	[sflag:s0] =	ssyncadd.s32 @!p0 s1  }
0x67: {  	[bflag:$0x3] =	sbarrier.arrive $0xFFFF  }
0x68: {  	_ =	shalt  }

</sc_bundles>
